<compile_context>
chip_gen: v7x
topology: tpu7x:2x2x1
jax: 0.10.2.dev20260603
libtpu: 0.0.44.dev20260713+nightly
codegen_flags: <defaults>
</compile_context>

<pallas_src>
import functools
import math

import jax
import jax.numpy as jnp
from jax import lax
from jax.experimental import pallas as pl
from jax.experimental.pallas import tpu as pltpu
from jax.experimental.pallas import tpu_sc as plsc

B = 16
G = 64
P = 500
PP = 512
L = 16
GS = 4 * G + 4 * L

HALF_LN_ALPHA = 0.5 * math.log(1.0 - 0.01)

_mesh = plsc.VectorSubcoreMesh(
    core_axis_name="c", subcore_axis_name="s", num_cores=1)


@functools.partial(
    pl.kernel,
    mesh=_mesh,
    compiler_params=pltpu.CompilerParams(needs_layout_passes=False),
    out_type=jax.ShapeDtypeStruct((B * 4 * PP,), jnp.float32),
    scratch_types=[
        pltpu.VMEM((GS,), jnp.float32),
        pltpu.VMEM((2 * PP,), jnp.int32),
        pltpu.VMEM((4 * PP,), jnp.float32),
        pltpu.VMEM((4 * PP,), jnp.float32),
        pltpu.SemaphoreType.DMA,
        pltpu.SemaphoreType.DMA,
        pltpu.SemaphoreType.DMA,
    ],
)
def _noised_gt_sc(gs_hbm, it_hbm, nz_hbm, out_hbm,
                  gs_v, it_v, nz_v, o_v, s0, s1, s2):
    b = lax.axis_index("s")
    cps = [
        pltpu.async_copy(gs_hbm.at[pl.ds(b * GS, GS)], gs_v, s0),
        pltpu.async_copy(it_hbm.at[pl.ds(b * 2 * PP, 2 * PP)], it_v, s1),
        pltpu.async_copy(nz_hbm.at[pl.ds(b * 4 * PP, 4 * PP)], nz_v, s2),
    ]
    for cp in cps:
        cp.wait()

    @pl.loop(0, PP // L)
    def _j(j):
        li = it_v[pl.ds(j * L, L)]
        tf = it_v[pl.ds(PP + j * L, L)].astype(jnp.float32)
        sqrt_a = jnp.exp(tf * HALF_LN_ALPHA)
        x = 1.0 - sqrt_a * sqrt_a
        y = jnp.where(x > 0.215, 0.681, jnp.where(x > 0.0464, 0.316, 0.1465))
        y = 0.5 * (y + x / y)
        y = 0.5 * (y + x / y)
        y = 0.5 * (y + x / y)
        sqrt_b = jnp.where(x > 0.0, y, 0.0)
        po = (j // 8) * (4 * 128) + (j % 8) * L
        for c in range(4):
            box = plsc.load_gather(gs_v, [li + c * G])
            s = gs_v[pl.ds(4 * G + c * L, L)]
            nzc = nz_v[pl.ds(po + c * 128, L)]
            o_v[pl.ds(po + c * 128, L)] = s * (box * sqrt_a + nzc * sqrt_b)

    pltpu.sync_copy(o_v, out_hbm.at[pl.ds(b * 4 * PP, 4 * PP)])


def kernel(gt_boxes, scales, sampled_indices, t, noise):
    gs = jnp.concatenate(
        [gt_boxes.transpose(0, 2, 1).reshape(B, 4 * G),
         jnp.broadcast_to(scales[:, :, None], (B, 4, L)).reshape(B, 4 * L)],
        axis=1).reshape(-1)
    it = jnp.concatenate(
        [jnp.pad(sampled_indices.astype(jnp.int32), ((0, 0), (0, PP - P))),
         jnp.pad(t.astype(jnp.int32), ((0, 0), (0, PP - P)))],
        axis=1).reshape(-1)
    nz4 = (jnp.pad(noise, ((0, 0), (0, PP - P), (0, 0)))
           .reshape(B, 4, 128, 4).transpose(0, 1, 3, 2).reshape(-1))
    out = _noised_gt_sc(gs, it, nz4)
    o = out.reshape(B, 4, 4, 128).transpose(0, 2, 1, 3).reshape(B, 4, PP)
    return o[:, :, :P].transpose(0, 2, 1)

# --- scband reference (transcript-rebuilt; emitter-appended) ---
"""Pipeline reference for scband-noised-ground-truth-90692529422817 (READ-ONLY COPY).

The authoritative reference and input builder live on the scoring server;
editing this copy changes nothing except your own understanding.
"""

import jax, jax.numpy as jnp
import numpy as np

NUM_PROPOSAL_BOXES = 500
GAUSSIAN_ERROR = 0.01
USE_T = True
B = 16
G = 64


def setup_inputs(seed: int = 0) -> dict:
    key = jax.random.key(seed)
    k1, k2, k3, k4, k5 = jax.random.split(key, 5)
    # gt boxes in normalized-ish coordinates (xyxy), scaled later by per-image width/height
    gt_boxes = jax.random.uniform(k1, (B, G, 4), dtype=jnp.float32)
    # per-image scale = [width, height, width, height]
    scales = jax.random.uniform(k2, (B, 4), dtype=jnp.float32) * 1024.0 + 256.0
    # sampled gt indices per proposal (torch.randint(len(gt_boxes), size=(P,)))
    sampled_indices = jax.random.randint(k3, (B, NUM_PROPOSAL_BOXES), 0, G, dtype=jnp.int64)
    # diffusion timestep per proposal (torch.randint(1000, ...))
    t = jax.random.randint(k4, (B, NUM_PROPOSAL_BOXES), 0, 1000, dtype=jnp.int64)
    # gaussian noise (torch.randn((P, 4)))
    noise = jax.random.normal(k5, (B, NUM_PROPOSAL_BOXES, 4), dtype=jnp.float32)
    return {
        "gt_boxes": gt_boxes,
        "scales": scales,
        "sampled_indices": sampled_indices,
        "t": t,
        "noise": noise,
    }


def reference(gt_boxes, scales, sampled_indices, t, noise):
    # Gather sampled ground-truth boxes: gt_boxes[b][sampled_indices[b]]
    idx = jnp.broadcast_to(sampled_indices[..., None], sampled_indices.shape + (4,))
    sampled_gt_boxes = jnp.take_along_axis(gt_boxes, idx, axis=1)  # [B, P, 4]
    if USE_T:
        alpha_cumprod = (1.0 - GAUSSIAN_ERROR) ** t.astype(jnp.float32)  # [B, P]
        alpha_cumprod = alpha_cumprod[..., None]  # [B, P, 1]
        corrupted = (
            sampled_gt_boxes * jnp.sqrt(alpha_cumprod)
            + noise * jnp.sqrt(1.0 - alpha_cumprod)
        )
    else:
        corrupted = (
            sampled_gt_boxes * (1.0 - GAUSSIAN_ERROR) ** 0.5
            + noise * GAUSSIAN_ERROR ** 0.5
        )
    # scale back to image coordinates: scale * corrupted
    prior = scales[:, None, :] * corrupted  # [B, P, 4]
    return prior


if False:  # reference __main__ guard neutralized (emitter)
    out = reference(**setup_inputs())
    print(out.shape)

if __name__ == "__main__":
    import jax
    _d = setup_inputs()
    print(jax.jit(kernel)(*tuple(_d.values())))

</pallas_src>

<mosaic_0001>
#map = affine_map<(d0, d1) -> (0)>
module attributes {stable_mosaic.version = 14 : i64} {
  func.func @_noised_gt_sc(%arg0: i32, %arg1: i32, %arg2: memref<5120xf32, #tpu.memory_space<hbm>>, %arg3: memref<16384xi32, #tpu.memory_space<hbm>>, %arg4: memref<32768xf32, #tpu.memory_space<hbm>>, %arg5: memref<32768xf32, #tpu.memory_space<hbm>>, %arg6: memref<320xf32, #tpu.memory_space<vmem>>, %arg7: memref<1024xi32, #tpu.memory_space<vmem>>, %arg8: memref<2048xf32, #tpu.memory_space<vmem>>, %arg9: memref<2048xf32, #tpu.memory_space<vmem>>, %arg10: memref<!tpu.dma_semaphore, #tpu.memory_space<semaphore_mem>>, %arg11: memref<!tpu.dma_semaphore, #tpu.memory_space<semaphore_mem>>, %arg12: memref<!tpu.dma_semaphore, #tpu.memory_space<semaphore_mem>>) attributes {dimension_semantics = [#tpu.dimension_semantics<core_parallel>, #tpu.dimension_semantics<subcore_parallel>], iteration_bounds = array<i64: 1, 16>, scalar_prefetch = 0 : i64, scratch_operands = 7 : i64, tpu.core_type = #tpu.core_type<sc_vector_subcore>, window_params = [{transform_indices = #map}, {transform_indices = #map}, {transform_indices = #map}, {transform_indices = #map}]} {
    %mul3A = arith.constant 320 : i32
    %mul3A_0 = arith.muli %arg1, %mul3A : i32
    %dma_start3A = tpu.memref_slice %arg2[%mul3A_0] : memref<5120xf32, #tpu.memory_space<hbm>> -> memref<320xf32, #tpu.memory_space<hbm>>
    %dma_start3A_1 = tpu.memref_slice %arg2[%mul3A_0] : memref<5120xf32, #tpu.memory_space<hbm>> -> memref<320xf32, #tpu.memory_space<hbm>>
    tpu.enqueue_dma source(%dma_start3A_1 : memref<320xf32, #tpu.memory_space<hbm>>) target(%arg6 : memref<320xf32, #tpu.memory_space<vmem>>) target_semaphore(%arg10 : memref<!tpu.dma_semaphore, #tpu.memory_space<semaphore_mem>>)
    %mul3A_2 = arith.constant 2 : i32
    %mul3A_3 = arith.muli %arg1, %mul3A_2 : i32
    %mul3A_4 = arith.constant 512 : i32
    %mul3A_5 = arith.muli %mul3A_3, %mul3A_4 : i32
    %dma_start3A_6 = tpu.memref_slice %arg3[%mul3A_5] : memref<16384xi32, #tpu.memory_space<hbm>> -> memref<1024xi32, #tpu.memory_space<hbm>>
    %dma_start3A_7 = tpu.memref_slice %arg3[%mul3A_5] : memref<16384xi32, #tpu.memory_space<hbm>> -> memref<1024xi32, #tpu.memory_space<hbm>>
    tpu.enqueue_dma source(%dma_start3A_7 : memref<1024xi32, #tpu.memory_space<hbm>>) target(%arg7 : memref<1024xi32, #tpu.memory_space<vmem>>) target_semaphore(%arg11 : memref<!tpu.dma_semaphore, #tpu.memory_space<semaphore_mem>>)
    %mul3A_8 = arith.constant 4 : i32
    %mul3A_9 = arith.muli %arg1, %mul3A_8 : i32
    %mul3A_10 = arith.constant 512 : i32
    %mul3A_11 = arith.muli %mul3A_9, %mul3A_10 : i32
    %dma_start3A_12 = tpu.memref_slice %arg4[%mul3A_11] : memref<32768xf32, #tpu.memory_space<hbm>> -> memref<2048xf32, #tpu.memory_space<hbm>>
    %dma_start3A_13 = tpu.memref_slice %arg4[%mul3A_11] : memref<32768xf32, #tpu.memory_space<hbm>> -> memref<2048xf32, #tpu.memory_space<hbm>>
    tpu.enqueue_dma source(%dma_start3A_13 : memref<2048xf32, #tpu.memory_space<hbm>>) target(%arg8 : memref<2048xf32, #tpu.memory_space<vmem>>) target_semaphore(%arg12 : memref<!tpu.dma_semaphore, #tpu.memory_space<semaphore_mem>>)
    %dma_wait3A = tpu.memref_slice %arg2[%mul3A_0] : memref<5120xf32, #tpu.memory_space<hbm>> -> memref<320xf32, #tpu.memory_space<hbm>>
    %dma_wait3A_14 = tpu.memref_slice %arg2[%mul3A_0] : memref<5120xf32, #tpu.memory_space<hbm>> -> memref<320xf32, #tpu.memory_space<hbm>>
    tpu.wait_dma2 semaphore(%arg10 : memref<!tpu.dma_semaphore, #tpu.memory_space<semaphore_mem>>) src(%dma_wait3A_14 : memref<320xf32, #tpu.memory_space<hbm>>) dst(%arg6 : memref<320xf32, #tpu.memory_space<vmem>>)
    %dma_wait3A_15 = tpu.memref_slice %arg3[%mul3A_5] : memref<16384xi32, #tpu.memory_space<hbm>> -> memref<1024xi32, #tpu.memory_space<hbm>>
    %dma_wait3A_16 = tpu.memref_slice %arg3[%mul3A_5] : memref<16384xi32, #tpu.memory_space<hbm>> -> memref<1024xi32, #tpu.memory_space<hbm>>
    tpu.wait_dma2 semaphore(%arg11 : memref<!tpu.dma_semaphore, #tpu.memory_space<semaphore_mem>>) src(%dma_wait3A_16 : memref<1024xi32, #tpu.memory_space<hbm>>) dst(%arg7 : memref<1024xi32, #tpu.memory_space<vmem>>)
    %dma_wait3A_17 = tpu.memref_slice %arg4[%mul3A_11] : memref<32768xf32, #tpu.memory_space<hbm>> -> memref<2048xf32, #tpu.memory_space<hbm>>
    %dma_wait3A_18 = tpu.memref_slice %arg4[%mul3A_11] : memref<32768xf32, #tpu.memory_space<hbm>> -> memref<2048xf32, #tpu.memory_space<hbm>>
    tpu.wait_dma2 semaphore(%arg12 : memref<!tpu.dma_semaphore, #tpu.memory_space<semaphore_mem>>) src(%dma_wait3A_18 : memref<2048xf32, #tpu.memory_space<hbm>>) dst(%arg8 : memref<2048xf32, #tpu.memory_space<vmem>>)
    %scan3A = arith.constant 0 : i32
    %scan3A_19 = arith.constant 32 : i32
    %scan3A_20 = arith.addi %scan3A, %scan3A_19 : i32
    %scan3A_21 = arith.constant 1 : i32
    scf.for %scan3A_27 = %scan3A to %scan3A_20 step %scan3A_21  : i32 {
      %mul3A_28 = arith.constant 1 : i32
      %mul3A_29 = arith.muli %scan3A_27, %mul3A_28 : i32
      %add3A = arith.constant 0 : i32
      %add3A_30 = arith.addi %add3A, %mul3A_29 : i32
      %mul3A_31 = arith.constant 16 : i32
      %mul3A_32 = arith.muli %add3A_30, %mul3A_31 : i32
      %get3A = arith.index_cast %mul3A_32 : i32 to index
      %get3A_33 = tpu.vector_load %arg7[%get3A] {strides = array<i32>} : memref<1024xi32, #tpu.memory_space<vmem>>, vector<16xi32>,
      %mul3A_34 = arith.constant 16 : i32
      %mul3A_35 = arith.muli %add3A_30, %mul3A_34 : i32
      %add3A_36 = arith.constant 512 : i32
      %add3A_37 = arith.addi %add3A_36, %mul3A_35 : i32
      %get3A_38 = arith.index_cast %add3A_37 : i32 to index
      %get3A_39 = tpu.vector_load %arg7[%get3A_38] {strides = array<i32>} : memref<1024xi32, #tpu.memory_space<vmem>>, vector<16xi32>,
      %convert_element_type3A = arith.sitofp %get3A_39 : vector<16xi32> to vector<16xf32>
      %mul3A_40 = arith.constant -0.00502516795 : f32
      %mul3A_41 = vector.broadcast %mul3A_40 : f32 to vector<16xf32>
      %mul3A_42 = arith.mulf %convert_element_type3A, %mul3A_41 : vector<16xf32>
      %exp3A = math.exp %mul3A_42 : vector<16xf32>
      %mul3A_43 = arith.mulf %exp3A, %exp3A : vector<16xf32>
      %sub3A = arith.constant 1.000000e+00 : f32
      %sub3A_44 = vector.broadcast %sub3A : f32 to vector<16xf32>
      %sub3A_45 = arith.subf %sub3A_44, %mul3A_43 : vector<16xf32>
      %gt3A = arith.constant 2.150000e-01 : f32
      %gt3A_46 = vector.broadcast %gt3A : f32 to vector<16xf32>
      %gt3A_47 = arith.cmpf ogt, %sub3A_45, %gt3A_46 : vector<16xf32>
      %gt3A_48 = arith.constant 4.640000e-02 : f32
      %gt3A_49 = vector.broadcast %gt3A_48 : f32 to vector<16xf32>
      %gt3A_50 = arith.cmpf ogt, %sub3A_45, %gt3A_49 : vector<16xf32>
      %jit3A = arith.constant 3.160000e-01 : f32
      %jit3A_51 = arith.constant 1.465000e-01 : f32
      %broadcast_in_dim3A = vector.broadcast %jit3A : f32 to vector<16xf32>
      %broadcast_in_dim3A_52 = vector.broadcast %jit3A_51 : f32 to vector<16xf32>
      %select_n3A = arith.select %gt3A_50, %broadcast_in_dim3A, %broadcast_in_dim3A_52 : vector<16xi1>, vector<16xf32>
      %jit3A_53 = arith.constant 6.810000e-01 : f32
      %broadcast_in_dim3A_54 = vector.broadcast %jit3A_53 : f32 to vector<16xf32>
      %select_n3A_55 = arith.select %gt3A_47, %broadcast_in_dim3A_54, %select_n3A : vector<16xi1>, vector<16xf32>
      %div3A = arith.divf %sub3A_45, %select_n3A_55 : vector<16xf32>
      %add3A_56 = arith.addf %select_n3A_55, %div3A : vector<16xf32>
      %mul3A_57 = arith.constant 5.000000e-01 : f32
      %mul3A_58 = vector.broadcast %mul3A_57 : f32 to vector<16xf32>
      %mul3A_59 = arith.mulf %mul3A_58, %add3A_56 : vector<16xf32>
      %div3A_60 = arith.divf %sub3A_45, %mul3A_59 : vector<16xf32>
      %add3A_61 = arith.addf %mul3A_59, %div3A_60 : vector<16xf32>
      %mul3A_62 = arith.constant 5.000000e-01 : f32
      %mul3A_63 = vector.broadcast %mul3A_62 : f32 to vector<16xf32>
      %mul3A_64 = arith.mulf %mul3A_63, %add3A_61 : vector<16xf32>
      %div3A_65 = arith.divf %sub3A_45, %mul3A_64 : vector<16xf32>
      %add3A_66 = arith.addf %mul3A_64, %div3A_65 : vector<16xf32>
      %mul3A_67 = arith.constant 5.000000e-01 : f32
      %mul3A_68 = vector.broadcast %mul3A_67 : f32 to vector<16xf32>
      %mul3A_69 = arith.mulf %mul3A_68, %add3A_66 : vector<16xf32>
      %gt3A_70 = arith.constant 0.000000e+00 : f32
      %gt3A_71 = vector.broadcast %gt3A_70 : f32 to vector<16xf32>
      %gt3A_72 = arith.cmpf ogt, %sub3A_45, %gt3A_71 : vector<16xf32>
      %jit3A_73 = arith.constant 0.000000e+00 : f32
      %broadcast_in_dim3A_74 = vector.broadcast %jit3A_73 : f32 to vector<16xf32>
      %select_n3A_75 = arith.select %gt3A_72, %mul3A_69, %broadcast_in_dim3A_74 : vector<16xi1>, vector<16xf32>
      %jit3A_76 = arith.constant 8 : i32
      %div3A_77 = arith.divsi %add3A_30, %jit3A_76 : i32
      %sign3A = arith.constant 0 : i32
      %sign3A_78 = arith.cmpi sgt, %add3A_30, %sign3A : i32
      %sign3A_79 = arith.extui %sign3A_78 : i1 to i32
      %sign3A_80 = arith.constant 0 : i32
      %sign3A_81 = arith.cmpi slt, %add3A_30, %sign3A_80 : i32
      %sign3A_82 = arith.extui %sign3A_81 : i1 to i32
      %sign3A_83 = arith.subi %sign3A_79, %sign3A_82 : i32
      %sign3A_84 = arith.constant 0 : i32
      %sign3A_85 = arith.cmpi sgt, %jit3A_76, %sign3A_84 : i32
      %sign3A_86 = arith.extui %sign3A_85 : i1 to i32
      %sign3A_87 = arith.constant 0 : i32
      %sign3A_88 = arith.cmpi slt, %jit3A_76, %sign3A_87 : i32
      %sign3A_89 = arith.extui %sign3A_88 : i1 to i32
      %sign3A_90 = arith.subi %sign3A_86, %sign3A_89 : i32
      %ne3A = arith.cmpi ne, %sign3A_83, %sign3A_90 : i32
      %rem3A = arith.remsi %add3A_30, %jit3A_76 : i32
      %ne3A_91 = arith.constant 0 : i32
      %ne3A_92 = arith.cmpi ne, %rem3A, %ne3A_91 : i32
      %and3A = arith.andi %ne3A, %ne3A_92 : i1
      %sub3A_93 = arith.constant 1 : i32
      %sub3A_94 = arith.subi %div3A_77, %sub3A_93 : i32
      %select_n3A_95 = arith.select %and3A, %sub3A_94, %div3A_77 : i32
      %mul3A_96 = arith.constant 512 : i32
      %mul3A_97 = arith.muli %select_n3A_95, %mul3A_96 : i32
      %jit3A_98 = arith.constant 8 : i32
      %eq3A = arith.constant 0 : i32
      %eq3A_99 = arith.cmpi eq, %jit3A_98, %eq3A : i32
      %jit3A_100 = arith.constant 1 : i32
      %select_n3A_101 = arith.select %eq3A_99, %jit3A_100, %jit3A_98 : i32
      %rem3A_102 = arith.remsi %add3A_30, %select_n3A_101 : i32
      %ne3A_103 = arith.constant 0 : i32
      %ne3A_104 = arith.cmpi ne, %rem3A_102, %ne3A_103 : i32
      %lt3A = arith.constant 0 : i32
      %lt3A_105 = arith.cmpi slt, %rem3A_102, %lt3A : i32
      %lt3A_106 = arith.constant 0 : i32
      %lt3A_107 = arith.cmpi slt, %select_n3A_101, %lt3A_106 : i32
      %ne3A_108 = arith.xori %lt3A_105, %lt3A_107 : i1
      %and3A_109 = arith.andi %ne3A_108, %ne3A_104 : i1
      %add3A_110 = arith.addi %rem3A_102, %select_n3A_101 : i32
      %select_n3A_111 = arith.select %and3A_109, %add3A_110, %rem3A_102 : i32
      %mul3A_112 = arith.constant 16 : i32
      %mul3A_113 = arith.muli %select_n3A_111, %mul3A_112 : i32
      %add3A_114 = arith.addi %mul3A_97, %mul3A_113 : i32
      %add3A_115 = arith.constant 0 : i32
      %add3A_116 = vector.broadcast %add3A_115 : i32 to vector<16xi32>
      %add3A_117 = arith.addi %get3A_33, %add3A_116 : vector<16xi32>
      %gather3A = tpu.vector_load_idx %arg6[%add3A_117] : memref<320xf32, #tpu.memory_space<vmem>>[vector<16xi32>], vector<16xf32>,
      %get3A_118 = arith.constant 256 : index
      %get3A_119 = tpu.vector_load %arg6[%get3A_118] {strides = array<i32>} : memref<320xf32, #tpu.memory_space<vmem>>, vector<16xf32>,
      %add3A_120 = arith.constant 0 : i32
      %add3A_121 = arith.addi %add3A_114, %add3A_120 : i32
      %get3A_122 = arith.index_cast %add3A_121 : i32 to index
      %get3A_123 = tpu.vector_load %arg8[%get3A_122] {strides = array<i32>} : memref<2048xf32, #tpu.memory_space<vmem>>, vector<16xf32>,
      %mul3A_124 = arith.mulf %gather3A, %exp3A : vector<16xf32>
      %mul3A_125 = arith.mulf %get3A_123, %select_n3A_75 : vector<16xf32>
      %add3A_126 = arith.addf %mul3A_124, %mul3A_125 : vector<16xf32>
      %mul3A_127 = arith.mulf %get3A_119, %add3A_126 : vector<16xf32>
      %add3A_128 = arith.constant 0 : i32
      %add3A_129 = arith.addi %add3A_114, %add3A_128 : i32
      %swap3A = arith.index_cast %add3A_129 : i32 to index
      %swap3A_130 = tpu.vector_load %arg9[%swap3A] {strides = array<i32>} : memref<2048xf32, #tpu.memory_space<vmem>>, vector<16xf32>,
      tpu.vector_store %arg9[%swap3A], %mul3A_127 {strides = array<i32>} : memref<2048xf32, #tpu.memory_space<vmem>>, vector<16xf32>,
      %add3A_131 = arith.constant 64 : i32
      %add3A_132 = vector.broadcast %add3A_131 : i32 to vector<16xi32>
      %add3A_133 = arith.addi %get3A_33, %add3A_132 : vector<16xi32>
      %gather3A_134 = tpu.vector_load_idx %arg6[%add3A_133] : memref<320xf32, #tpu.memory_space<vmem>>[vector<16xi32>], vector<16xf32>,
      %get3A_135 = arith.constant 272 : index
      %get3A_136 = tpu.vector_load %arg6[%get3A_135] {strides = array<i32>} : memref<320xf32, #tpu.memory_space<vmem>>, vector<16xf32>,
      %add3A_137 = arith.constant 128 : i32
      %add3A_138 = arith.addi %add3A_114, %add3A_137 : i32
      %get3A_139 = arith.index_cast %add3A_138 : i32 to index
      %get3A_140 = tpu.vector_load %arg8[%get3A_139] {strides = array<i32>} : memref<2048xf32, #tpu.memory_space<vmem>>, vector<16xf32>,
      %mul3A_141 = arith.mulf %gather3A_134, %exp3A : vector<16xf32>
      %mul3A_142 = arith.mulf %get3A_140, %select_n3A_75 : vector<16xf32>
      %add3A_143 = arith.addf %mul3A_141, %mul3A_142 : vector<16xf32>
      %mul3A_144 = arith.mulf %get3A_136, %add3A_143 : vector<16xf32>
      %add3A_145 = arith.constant 128 : i32
      %add3A_146 = arith.addi %add3A_114, %add3A_145 : i32
      %swap3A_147 = arith.index_cast %add3A_146 : i32 to index
      %swap3A_148 = tpu.vector_load %arg9[%swap3A_147] {strides = array<i32>} : memref<2048xf32, #tpu.memory_space<vmem>>, vector<16xf32>,
      tpu.vector_store %arg9[%swap3A_147], %mul3A_144 {strides = array<i32>} : memref<2048xf32, #tpu.memory_space<vmem>>, vector<16xf32>,
      %add3A_149 = arith.constant 128 : i32
      %add3A_150 = vector.broadcast %add3A_149 : i32 to vector<16xi32>
      %add3A_151 = arith.addi %get3A_33, %add3A_150 : vector<16xi32>
      %gather3A_152 = tpu.vector_load_idx %arg6[%add3A_151] : memref<320xf32, #tpu.memory_space<vmem>>[vector<16xi32>], vector<16xf32>,
      %get3A_153 = arith.constant 288 : index
      %get3A_154 = tpu.vector_load %arg6[%get3A_153] {strides = array<i32>} : memref<320xf32, #tpu.memory_space<vmem>>, vector<16xf32>,
      %add3A_155 = arith.constant 256 : i32
      %add3A_156 = arith.addi %add3A_114, %add3A_155 : i32
      %get3A_157 = arith.index_cast %add3A_156 : i32 to index
      %get3A_158 = tpu.vector_load %arg8[%get3A_157] {strides = array<i32>} : memref<2048xf32, #tpu.memory_space<vmem>>, vector<16xf32>,
      %mul3A_159 = arith.mulf %gather3A_152, %exp3A : vector<16xf32>
      %mul3A_160 = arith.mulf %get3A_158, %select_n3A_75 : vector<16xf32>
      %add3A_161 = arith.addf %mul3A_159, %mul3A_160 : vector<16xf32>
      %mul3A_162 = arith.mulf %get3A_154, %add3A_161 : vector<16xf32>
      %add3A_163 = arith.constant 256 : i32
      %add3A_164 = arith.addi %add3A_114, %add3A_163 : i32
      %swap3A_165 = arith.index_cast %add3A_164 : i32 to index
      %swap3A_166 = tpu.vector_load %arg9[%swap3A_165] {strides = array<i32>} : memref<2048xf32, #tpu.memory_space<vmem>>, vector<16xf32>,
      tpu.vector_store %arg9[%swap3A_165], %mul3A_162 {strides = array<i32>} : memref<2048xf32, #tpu.memory_space<vmem>>, vector<16xf32>,
      %add3A_167 = arith.constant 192 : i32
      %add3A_168 = vector.broadcast %add3A_167 : i32 to vector<16xi32>
      %add3A_169 = arith.addi %get3A_33, %add3A_168 : vector<16xi32>
      %gather3A_170 = tpu.vector_load_idx %arg6[%add3A_169] : memref<320xf32, #tpu.memory_space<vmem>>[vector<16xi32>], vector<16xf32>,
      %get3A_171 = arith.constant 304 : index
      %get3A_172 = tpu.vector_load %arg6[%get3A_171] {strides = array<i32>} : memref<320xf32, #tpu.memory_space<vmem>>, vector<16xf32>,
      %add3A_173 = arith.constant 384 : i32
      %add3A_174 = arith.addi %add3A_114, %add3A_173 : i32
      %get3A_175 = arith.index_cast %add3A_174 : i32 to index
      %get3A_176 = tpu.vector_load %arg8[%get3A_175] {strides = array<i32>} : memref<2048xf32, #tpu.memory_space<vmem>>, vector<16xf32>,
      %mul3A_177 = arith.mulf %gather3A_170, %exp3A : vector<16xf32>
      %mul3A_178 = arith.mulf %get3A_176, %select_n3A_75 : vector<16xf32>
      %add3A_179 = arith.addf %mul3A_177, %mul3A_178 : vector<16xf32>
      %mul3A_180 = arith.mulf %get3A_172, %add3A_179 : vector<16xf32>
      %add3A_181 = arith.constant 384 : i32
      %add3A_182 = arith.addi %add3A_114, %add3A_181 : i32
      %swap3A_183 = arith.index_cast %add3A_182 : i32 to index
      %swap3A_184 = tpu.vector_load %arg9[%swap3A_183] {strides = array<i32>} : memref<2048xf32, #tpu.memory_space<vmem>>, vector<16xf32>,
      tpu.vector_store %arg9[%swap3A_183], %mul3A_180 {strides = array<i32>} : memref<2048xf32, #tpu.memory_space<vmem>>, vector<16xf32>,
    }
    %scan3A_22 = arith.constant 32 : i32
    %mul3A_23 = arith.constant 4 : i32
    %mul3A_24 = arith.muli %arg1, %mul3A_23 : i32
    %mul3A_25 = arith.constant 512 : i32
    %mul3A_26 = arith.muli %mul3A_24, %mul3A_25 : i32
    "tpu.region"() ({
      %run_scoped3A = tpu.sem_alloc : memref<!tpu.dma_semaphore, #tpu.memory_space<semaphore_mem>>
      %dma_start3A_27 = tpu.memref_slice %arg5[%mul3A_26] : memref<32768xf32, #tpu.memory_space<hbm>> -> memref<2048xf32, #tpu.memory_space<hbm>>
      %dma_start3A_28 = tpu.memref_slice %arg5[%mul3A_26] : memref<32768xf32, #tpu.memory_space<hbm>> -> memref<2048xf32, #tpu.memory_space<hbm>>
      tpu.enqueue_dma source(%arg9 : memref<2048xf32, #tpu.memory_space<vmem>>) target(%dma_start3A_28 : memref<2048xf32, #tpu.memory_space<hbm>>) target_semaphore(%run_scoped3A : memref<!tpu.dma_semaphore, #tpu.memory_space<semaphore_mem>>)
      %dma_wait3A_29 = tpu.memref_slice %arg5[%mul3A_26] : memref<32768xf32, #tpu.memory_space<hbm>> -> memref<2048xf32, #tpu.memory_space<hbm>>
      %dma_wait3A_30 = tpu.memref_slice %arg5[%mul3A_26] : memref<32768xf32, #tpu.memory_space<hbm>> -> memref<2048xf32, #tpu.memory_space<hbm>>
      tpu.wait_dma2 semaphore(%run_scoped3A : memref<!tpu.dma_semaphore, #tpu.memory_space<semaphore_mem>>) src(%arg9 : memref<2048xf32, #tpu.memory_space<vmem>>) dst(%dma_wait3A_30 : memref<2048xf32, #tpu.memory_space<hbm>>)
      tpu.yield
    }) : () -> ()
    return
  }
}

</mosaic_0001>

<sc_bundles>
// kernel: kernel.3.cloned.1.call-start
scs
__scs_entry_jumppad:
0x0: {  	(pc) =	sbr.rel $0x88, $3  }
0x1: {  	(tag) =	ssettag $0x0;
	lr =	simm.s32 $0x1  }
0x2: {  	[smem:$0x3F9C] =	sst lr;
	_ =	strace $0xD0000000  }
0x3: {  	_ = 	snop  }
0x4: {  	_ = 	snop  }
0x5: {  	_ = 	snop  }
0x6: {  	_ = 	snop  }
0x7: {  	_ = 	snop  }
__scs_overlays_trampoline_lowered:
0x8: {  	[smem:$0x3FAB] =	sst s0  }
0x9: {  	[smem:$0x3FAC] =	sst s1  }
0xa: {  	[smem:$0x3FAD] =	sst s2  }
0xb: {  	[smem:$0x3FAE] =	sst s3  }
0xc: {  	[smem:$0x3FAF] =	sst s4  }
0xd: {  	[smem:$0x3FB0] =	sst s5  }
0xe: {  	[smem:$0x3FB1] =	sst s6  }
0xf: {  	[smem:$0x3FB2] =	sst s7  }
0x10: {  	[smem:$0x3FB3] =	sst s8  }
0x11: {  	[smem:$0x3FB4] =	sst s9;
	s0 =	simm.s32 @!p0 $0x0  }
0x12: {  	s1 =	sld [smem:$0x3F9A];
	s0 =	simm.s32 @p0 $0x1  }
0x13: {  	[smem:$0x3FB5] =	sst s0;
	s0 =	simm.s32 @!p1 $0x0  }
0x14: {  	s2 =	sld [smem:$0x3F99];
	s0 =	simm.s32 @p1 $0x1  }
0x15: {  	[smem:$0x3FB6] =	sst s0;
	s0 =	simm.s32 @!p2 $0x0  }
0x16: {  	s3 =	sld [smem:$0x3FDB];
	s0 =	simm.s32 @p2 $0x1  }
0x17: {  	s4 =	simm.s32 $0x1BF5;
	[smem:$0x3FB8] =	sst s0  }
0x18: {  	s0 =	sld [smem:$0x3F9B];
	_ =	swait.ge [sflag:s4], $0x0  }
0x19: {  	s7 =	sld [smem:$0x3F9C]  }
0x1a: {  	s8 =	sadd.s32 $0xFFFFE003, lr  }
0x1b: {  	s9 =	sadd.s32 $0xFFFFFEF7, lr;
	s5 =	simm.s32 $0xFFFFFFFF;
	p2 =	slt.u32 s8, $0xFFFFF086  }
0x1c: {  	p1 =	slt.u32 s9, $0xF7A;
	s5 =	simm.s32 @!p2 $0x0  }
0x1d: {  	s5 =	simm.s32 @p1 $0x1;
	p0 =	seq.s32 s7, s2  }
0x1e: {  	s7 =	smul.u32 @!p0 $0xF7A, s2;
	p2 =	seq.s32 @!p0 s5, $0x0  }
0x1f: {  	s9 =	smul.u32 $0xF7A, s1;
	s8 =	simm.s32 @!p0 $0x1BF5;
	p2 =	por !p2, p0  }
0x20: {  	[sflag:s8] =	ssyncset.s32 @!p0 $0xFFFFF086;
	s6 =	sadd.s32 @!p0 s3, s7;
	s7 =	simm.s32 @!p0 $0x108  }
0x21: {  	s3 =	sadd.s32 s3, s9;
	s6 =	sadd.s32 @!p0 $0x88, s6;
	s7 =	simm.s32 @p2 $0x1082  }
0x22: {  	[simem:s7], [sflag:s8] =	dma.local @!p0 [hbm:s6], $0xF7A  }
0x23: {  	s9 =	sor.u32 $0xD0000000, s2;
	s6 =	simm.s32 $0x108;
	_ =	swait.ge @!p0 [sflag:s8], $0x0  }
0x24: {  	s3 =	sadd.s32 $0x88, s3;
	s6 =	simm.s32 @!p1 $0x1082;
	[sflag:s4] =	ssyncset.s32 $0xFFFFF086  }
0x25: {  	[simem:s6], [sflag:s4] =	dma.local [hbm:s3], $0xF7A  }
0x26: {  	[smem:$0x3F9C] =	sst s1;
	(tag) =	ssettag s2;
	_ =	strace s9  }
0x27: {  	s1 =	sld [smem:$0x3FAC]  }
0x28: {  	s2 =	sld [smem:$0x3FAD]  }
0x29: {  	s4 =	sld [smem:$0x3FAF]  }
0x2a: {  	p0 =	seq.s32 s5, $0x0;
	s5 =	sld [smem:$0x3FB0]  }
0x2b: {  	s6 =	sld [smem:$0x3FB1]  }
0x2c: {  	s7 =	sld [smem:$0x3FB2]  }
0x2d: {  	s3 =	simm.s32 $0x108;
	s8 =	sld [smem:$0x3FB3]  }
0x2e: {  	s3 =	simm.s32 @!p0 $0x1082;
	s9 =	sld [smem:$0x3FB4]  }
0x2f: {  	lr =	sadd.s32 s0, s3;
	s0 =	sld [smem:$0x3FAB]  }
0x30: {  	s3 =	sld [smem:$0x3FAE]  }
0x31: {  	[smem:$0x3FB7] =	sst s10  }
0x32: {  	s10 =	sld [smem:$0x3FB5];
	_ =	sdelay $0x3  }
0x33: {  	p0 =	seq.s32 s10, $0x1;
	s10 =	sld [smem:$0x3FB7];
	_ =	sdelay $0x3  }
0x34: {  	[smem:$0x3FB7] =	sst s10  }
0x35: {  	s10 =	sld [smem:$0x3FB6];
	_ =	sdelay $0x3  }
0x36: {  	p1 =	seq.s32 s10, $0x1;
	s10 =	sld [smem:$0x3FB7];
	_ =	sdelay $0x3  }
0x37: {  	[smem:$0x3FB7] =	sst s10  }
0x38: {  	s10 =	sld [smem:$0x3FB8]  }
0x39: {  	_ = 	snop;
	(pc) =	sbr.ind lr, $3  }
0x3a: {  	_ = 	snop  }
0x3b: {  	_ = 	snop  }
0x3c: {  	p2 =	seq.s32 s10, $0x1;
	s10 =	sld [smem:$0x3FB7]  }
0x3d: {  	_ =	shalt  }
0x3e: {  	_ =	shalt  }
0x3f: {  	_ =	shalt  }
0x40: {  	_ =	shalt  }
0x41: {  	_ =	shalt  }
0x42: {  	_ =	shalt  }
0x43: {  	_ =	shalt  }
0x44: {  	_ =	shalt  }
0x45: {  	_ =	shalt  }
0x46: {  	_ =	shalt  }
0x47: {  	_ =	shalt  }
0x48: {  	_ =	shalt  }
0x49: {  	_ =	shalt  }
0x4a: {  	_ =	shalt  }
0x4b: {  	_ =	shalt  }
0x4c: {  	_ =	shalt  }
0x4d: {  	_ =	shalt  }
0x4e: {  	_ =	shalt  }
0x4f: {  	_ =	shalt  }
0x50: {  	_ =	shalt  }
0x51: {  	_ =	shalt  }
0x52: {  	_ =	shalt  }
0x53: {  	_ =	shalt  }
0x54: {  	_ =	shalt  }
0x55: {  	_ =	shalt  }
0x56: {  	_ =	shalt  }
0x57: {  	_ =	shalt  }
0x58: {  	_ =	shalt  }
0x59: {  	_ =	shalt  }
0x5a: {  	_ =	shalt  }
0x5b: {  	_ =	shalt  }
0x5c: {  	_ =	shalt  }
0x5d: {  	_ =	shalt  }
0x5e: {  	_ =	shalt  }
0x5f: {  	_ =	shalt  }
0x60: {  	_ =	shalt  }
0x61: {  	_ =	shalt  }
0x62: {  	_ =	shalt  }
0x63: {  	_ =	shalt  }
0x64: {  	_ =	shalt  }
0x65: {  	_ =	shalt  }
0x66: {  	_ =	shalt  }
0x67: {  	_ =	shalt  }
0x68: {  	_ =	shalt  }
0x69: {  	_ =	shalt  }
0x6a: {  	_ =	shalt  }
0x6b: {  	_ =	shalt  }
0x6c: {  	_ =	shalt  }
0x6d: {  	_ =	shalt  }
0x6e: {  	_ =	shalt  }
0x6f: {  	_ =	shalt  }
0x70: {  	_ =	shalt  }
0x71: {  	_ =	shalt  }
0x72: {  	_ =	shalt  }
0x73: {  	_ =	shalt  }
0x74: {  	_ =	shalt  }
0x75: {  	_ =	shalt  }
0x76: {  	_ =	shalt  }
0x77: {  	_ =	shalt  }
0x78: {  	_ =	shalt  }
0x79: {  	_ =	shalt  }
0x7a: {  	_ =	shalt  }
0x7b: {  	_ =	shalt  }
0x7c: {  	_ =	shalt  }
0x7d: {  	_ =	shalt  }
0x7e: {  	_ =	shalt  }
0x7f: {  	_ =	shalt  }
0x80: {  	_ =	shalt  }
0x81: {  	_ =	shalt  }
0x82: {  	_ =	shalt  }
0x83: {  	_ =	shalt  }
0x84: {  	_ =	shalt  }
0x85: {  	_ =	shalt  }
0x86: {  	_ =	shalt  }
0x87: {  	_ =	shalt  }
.Lfunc_end0:
.L_simem_size_0:
called_computation_lowered:
.L_overlay_start_0:
0x88: {  	s0 =	sld [smem:$0x3FD9]  }
0x89: {  	s1 =	sld [smem:$0x3FFE];
	_ =	sdelay $0x3  }
0x8a: {  	s0 =	sadd.s32 s1, s0  }
0x8b: {  	[smem:$0x3FC3] =	sst s0  }
0x8c: {  	_ = 	snop  }
0x8d: {  	s0 =	sld [smem:$0x3FD0];
	(tm) =	ssettm $0x1  }
0x8e: {  	s16 =	sld [smem:$0x3FFB];
	_ =	sdelay $0x3  }
0x8f: {  	_ =	strace s16  }
0x90: {  	s1 =	sld [smem:$0x3FFC];
	_ =	sdelay $0x3  }
0x91: {  	_ =	strace s1  }
0x92: {  	s1 =	sld [smem:$0x3FFD];
	_ =	sdelay $0x3  }
0x93: {  	_ =	strace s1  }
0x94: {  	_ =	strace $0x8FFFFFFF  }
0x95: {  	s17 =	sld [smem:$0x3FDB];
	_ =	sdelay $0x1  }
0x96: {  	s2 =	simm.s32 $_scs_section_size  }
0x97: {  	s3 =	simm.s32 $_size__tile_overlayer_lowered;
	s4 =	simm.s32 $_tile_overlayer_lowered  }
0x98: {  	s20 =	simm.s32 $0x1BFF;
	s19 =	sshll.u32 s4, $0x1;
	s1 =	sadd.s32 s2, s17  }
0x99: {  	s5 =	simm.s32 $0x0;
	s18 =	sshll.u32 s3, $0x1;
	s3 =	sadd.s32 s19, s1  }
0x9a: {  	[timem:s5], [sflag:s20] =	dma.local [hbm:s3], s18  }
0x9b: {  	_ =	swait.ge [sflag:s20], s18  }
0x9c: {  	s2 =	ssub.s32 $0x0, s18;
	[sflag:s20] =	ssyncset.done $0x0  }
0x9d: {  	[sflag:s20] =	ssyncadd.s32 s2;
	_ =	sdelay $0x1  }
0x9e: {  	s21 =	simm.s32 $0x1B8B  }
0x9f: {  	_ =	swait.ge [sflag:s21], $0x1  }
0xa0: {  	[sflag:s21] =	ssyncset.done $0x0  }
0xa1: {  	s23 =	simm.s32 $0x1B8E;
	s22 =	sld [smem:$0x3FFE];
	[sflag:s21] =	ssyncadd.s32 $0xFFFFFFFF  }
0xa2: {  	s24 =	simm.s32 $execute0_lowered;
	[smem:$0x3FD2] =	sst s23  }
0xa3: {  	s3 =	sshll.u32 s24, $0x1;
	_ =	strace $0x80000046;
	[dreg:$0x1] =	wrdreg $0xFFFFFFFF  }
0xa4: {  	s25 =	simm.s32 $_size_execute0_lowered;
	s1 =	sadd.s32 s1, s3;
	[dreg:$0x0] =	wrdreg $0x0  }
0xa5: {  	s3 =	sshll.u32 s25, $0x1;
	[dreg:$0x2] =	wrdreg s1  }
0xa6: {  	[dreg:$0x3] =	wrdreg s3  }
0xa7: {  	[dreg:$0x4] =	wrdreg $0xC0  }
0xa8: {  	_ =	task [dreg:s5], $0x5FFFF  }
0xa9: {  	[dreg:$0x1] =	wrdreg $0xFFFFFFFF  }
0xaa: {  	[dreg:$0x0] =	wrdreg $0x60  }
0xab: {  	[dreg:$0x2] =	wrdreg s22  }
0xac: {  	[dreg:$0x3] =	wrdreg s0  }
0xad: {  	[dreg:$0x4] =	wrdreg $0x9  }
0xae: {  	_ =	task.clear_ibuf [dreg:s5], $0x5FFFF;
	_ =	strace $0x90000046  }
0xaf: {  	s26 =	simm.s32 $0x9;
	_ =	strace $0x80000048  }
0xb0: {  	_ =	swait.ge [sflag:s26], $0x1  }
0xb1: {  	[sflag:s26] =	ssyncadd.s32 $0xFFFFFFFF  }
0xb2: {  	_ =	strace $0x90000048  }
0xb3: {  	_ =	sfence  }
0xb4: {  	s28 =	sld [smem:$0x0];
	_ =	sdelay $0x1  }
0xb5: {  	s29 =	srdreg.scid  }
0xb6: {  	s30 =	sshll.u32 s29, $0xD;
	s31 =	sshrl.u32 s29, $0x2  }
0xb7: {  	s2 =	sand.u32 $0x4000, s30;
	s1 =	sand.u32 $0x1, s29;
	s0 =	sadd.s32 s31, s28  }
0xb8: {  	s1 =	sor.u32 s2, s1;
	s0 =	sshll.u32 s0, $0x11  }
0xb9: {  	s0 =	sor.u32 s0, s1  }
0xba: {  	s0 =	sadd.s32 $0x8F2B, s0  }
0xbb: {  	[sflag:s0] =	ssyncadd.remote.s32 $0x1  }
0xbc: {  	_ =	sfence.sel $0xFFFF  }
0xbd: {  	[dreg:$0x0] =	wrdreg $0xFFFFFFFF;
	(pc) =	sbr.abs _section_cstart, $3  }
0xbe: {  	[dreg:$0x1] =	wrdreg $0xFFFFFFFF  }
0xbf: {  	_ =	task.clear_ibuf [dreg:s5], $0x2FFFF;
	_ =	strace $0x9FFFFFFF  }
0xc0: {  	(tm) =	ssettm $0x7FFFFFFF  }
0xc1: {  	_ =	shalt  }
tec
execute0_lowered:
.L_overlay_start_1:
0x0: {  	(tag) =	ssettag $0x1  }
0x1: {  	s4 =	rddreg [dreg:$0x0];
	s0 =	stileid.u32  }
0x2: {  	s5 =	rddreg [dreg:$0x1];
	s2 =	smul.u32 $0x28, s0  }
0x3: {  	s1 =	rddreg [dreg:$0x2];
	s3 =	simm.s32 $0x0  }
0x4: {  	[smem:$0x7FF] =	sst s3;
	s6 =	sshll.u32 s0, $0x7;
	s2 =	sadd.s32 s2, s4  }
0x5: {  	_ =	strace $0x80000047;
	s6 =	sadd.s32 s6, s4;
	s2 =	sadd.s32 $0xA00, s2  }
0x6: {  	[tilespmem:s3], [sflag:$0x1] =	stream.linear.gather [hbm4b:s2+s3], $0x140, $0x38;
	[tilespmem:$0x1580] =	vst v63  }
0x7: {  	s7 =	simm.s32 $0x180;
	s6 =	sadd.s32 $0xE00, s6;
	s2 =	sshll.u32 s0, $0x8  }
0x8: {  	[tilespmem:s7], [sflag:$0x2] =	stream.linear.gather [hbm4b:s6+s3], $0x400, $0x38;
	[tilespmem:$0x1580] =	vst v63  }
0x9: {  	s23 =	simm.s32 $0x580;
	s24 =	simm.s32 $0x1;
	s5 =	sadd.s32 s5, s2  }
0xa: {  	[tilespmem:s23], [sflag:$0x3] =	stream.linear.gather [hbm4b:s5+s3], $0x800, $0x38;
	[tilespmem:$0x1580] =	vst v63  }
0xb: {  	_ =	swait.ge [sflag:s24], $0x140  }
0xc: {  	[sflag:s24] =	ssyncset.done $0x0  }
0xd: {  	s25 =	simm.s32 $0x2;
	[sflag:s24] =	ssyncadd.s32 $0xFFFFFEC0  }
0xe: {  	_ =	swait.ge [sflag:s25], $0x400  }
0xf: {  	[sflag:s25] =	ssyncset.done $0x0  }
0x10: {  	s26 =	simm.s32 $0x3;
	[sflag:s25] =	ssyncadd.s32 $0xFFFFFC00  }
0x11: {  	_ =	swait.ge [sflag:s26], $0x800  }
0x12: {  	[sflag:s26] =	ssyncset.done $0x0  }
0x13: {  	s28 =	sand.u32 $0x1F0, s3;
	[sflag:s26] =	ssyncadd.s32 $0xFFFFF800  }
0x14: {  	v0 =	vld [tilespmem:s28+$0x380];
	_ =	sdelay $0x4  }
0x15: {  	v0 =	vcvt.s32.f32 v0;
	_ =	sdelay $0x1  }
0x16: {  	v0 =	vmul.f32 $-5.025167950e-03, v0;
	_ =	sdelay $0x1  }
0x17: {  	v0 =	vmul.f32 $1.442695020e+00, v0;
	_ =	sdelay $0x1  }
0x18: {  	(erf) = vpow2.f32 v0;
	_ =	sdelay $0x8  }
0x19: {  	v1 =	vpop (erf)  }
0x1a: {  	v0 =	vmul.f32 v1, v1;
	_ =	sdelay $0x1  }
0x1b: {  	v2 =	vsub.f32 $1.000000000e+00, v0;
	_ =	sdelay $0x1  }
0x1c: {  	v0 =	vimm.f32 $1.465000060e-01;
	vm0 =	vgt.f32 v2, $4.639999940e-02  }
0x1d: {  	vm1 =	vgt.f32 v2, $2.150000040e-01;
	v3 =	vsel vm0, $0x3EA1CAC1, v0  }
0x1e: {  	v3 =	vsel vm1, $0x3F2E5604, v3  }
0x1f: {  	(erf) = vrcp.f32 v3;
	_ =	sdelay $0x8  }
0x20: {  	v4 =	vpop (erf)  }
0x21: {  	v4 =	vmul.f32 v4, v2;
	_ =	sdelay $0x1  }
0x22: {  	v3 =	vadd.f32 v4, v3;
	_ =	sdelay $0x1  }
0x23: {  	v3 =	vmul.f32 $5.000000000e-01, v3;
	_ =	sdelay $0x1  }
0x24: {  	(erf) = vrcp.f32 v3;
	_ =	sdelay $0x8  }
0x25: {  	v53 =	vpop (erf)  }
0x26: {  	v4 =	vmul.f32 v53, v2;
	_ =	sdelay $0x1  }
0x27: {  	v3 =	vadd.f32 v4, v3;
	_ =	sdelay $0x1  }
0x28: {  	v3 =	vmul.f32 $5.000000000e-01, v3;
	_ =	sdelay $0x1  }
0x29: {  	(erf) = vrcp.f32 v3;
	_ =	sdelay $0x2  }
0x2a: {  	s29 =	simm.s32 $0x0  }
0x2b: {  	v54 =	vld [tilespmem:s29+$0x180];
	_ =	sdelay $0x4  }
0x2c: {  	s30 =	sand.u32 $0x70, s3;
	s31 =	sand.u32 $0x600, s3;
	v5 =	vpop (erf)  }
0x2d: {  	s5 =	sor.u32 s30, s31;
	v5 =	vmul.f32 v5, v2  }
0x2e: {  	v55 =	vld [tilespmem:s5+$0x580]  }
0x2f: {  	v6 =	vld.idx.msk [tilespmem:v54+s3+$0x0], $0xffff;
	v3 =	vadd.f32 v5, v3;
	_ =	sdelay $0x1  }
0x30: {  	v3 =	vmul.f32 $5.000000000e-01, v3  }
0x31: {  	vm15 =	vgt.f32 v2, $0.0e+00  }
0x32: {  	v2 =	vnsel vm15, $0x0, v3;
	v3 =	vld [tilespmem:$0x100]  }
0x33: {  	v6 =	vmul.f32 v1, v6;
	v5 =	vmul.f32 v2, v55;
	_ =	sdelay $0x1  }
0x34: {  	v56 =	vadd.s32 $0x40, v54;
	v5 =	vadd.f32 v5, v6;
	_ =	sdelay $0x1  }
0x35: {  	v3 =	vmul.f32 v5, v3;
	_ =	sdelay $0x1  }
0x36: {  	v57 =	vld [tilespmem:s5+$0x600];
	[tilespmem:s5+$0xD80] =	vst v3  }
0x37: {  	v3 =	vld.idx.msk [tilespmem:v56+s3+$0x0], $0xffff;
	_ =	sdelay $0x3  }
0x38: {  	v58 =	vld [tilespmem:$0x110]  }
0x39: {  	v5 =	vmul.f32 v2, v57;
	v3 =	vmul.f32 v3, v1;
	_ =	sdelay $0x1  }
0x3a: {  	v59 =	vadd.s32 $0x80, v54;
	v3 =	vadd.f32 v5, v3;
	_ =	sdelay $0x1  }
0x3b: {  	v3 =	vmul.f32 v3, v58;
	_ =	sdelay $0x1  }
0x3c: {  	v60 =	vld [tilespmem:s5+$0x680];
	[tilespmem:s5+$0xE00] =	vst v3  }
0x3d: {  	v3 =	vld.idx.msk [tilespmem:v59+s3+$0x0], $0xffff;
	_ =	sdelay $0x3  }
0x3e: {  	v61 =	vld [tilespmem:$0x120]  }
0x3f: {  	v5 =	vmul.f32 v2, v60;
	v3 =	vmul.f32 v3, v1;
	_ =	sdelay $0x1  }
0x40: {  	v4 =	vadd.s32 $0xC0, v54;
	v3 =	vadd.f32 v5, v3;
	_ =	sdelay $0x1  }
0x41: {  	v3 =	vmul.f32 v3, v61;
	_ =	sdelay $0x1  }
0x42: {  	s6 =	sor.u32 s31, s3;
	[tilespmem:s5+$0xE80] =	vst v3  }
0x43: {  	s8 =	sor.u32 $0x180, s6;
	v3 =	vld.idx.msk [tilespmem:v4+s3+$0x0], $0xffff  }
0x44: {  	v62 =	vld [tilespmem:s8+$0x580];
	_ =	sdelay $0x3  }
0x45: {  	v63 =	vld [tilespmem:$0x130]  }
0x46: {  	v1 =	vmul.f32 v3, v1;
	v2 =	vmul.f32 v2, v62;
	_ =	sdelay $0x1  }
0x47: {  	v1 =	vadd.f32 v2, v1  }
0x48: {  	s4 =	sadd.s32 $0x1600, s4  }
0x49: {  	s7 =	simm.s32 $0x80;
	s6 =	simm.s32 $0x40;
	s5 =	simm.s32 $0x10;
	v1 =	vmul.f32 v1, v63  }
.LBB2_1:
0x4a: {  	p0 =	sne.s32 s7, $0x7C0  }
0x4b: {  	s9 =	sand.u32 $0x1F0, s5;
	[tilespmem:s8+$0xD80] =	vst v1;
	s8 =	smov.u32 s7;
	s7 =	sadd.s32 $0x40, s7  }
0x4c: {  	v1 =	vld [tilespmem:s9+$0x380];
	_ =	sdelay $0x4  }
0x4d: {  	v1 =	vcvt.s32.f32 v1;
	_ =	sdelay $0x1  }
0x4e: {  	v1 =	vmul.f32 $-5.025167950e-03, v1;
	_ =	sdelay $0x1  }
0x4f: {  	v1 =	vmul.f32 $1.442695020e+00, v1;
	_ =	sdelay $0x1  }
0x50: {  	(erf) = vpow2.f32 v1;
	_ =	sdelay $0x8  }
0x51: {  	v1 =	vpop (erf)  }
0x52: {  	v2 =	vmul.f32 v1, v1;
	_ =	sdelay $0x1  }
0x53: {  	v2 =	vsub.f32 $1.000000000e+00, v2;
	_ =	sdelay $0x1  }
0x54: {  	vm0 =	vgt.f32 v2, $4.639999940e-02  }
0x55: {  	vm1 =	vgt.f32 v2, $2.150000040e-01;
	v3 =	vsel vm0, $0x3EA1CAC1, v0  }
0x56: {  	v3 =	vsel vm1, $0x3F2E5604, v3  }
0x57: {  	(erf) = vrcp.f32 v3;
	_ =	sdelay $0x8  }
0x58: {  	v4 =	vpop (erf)  }
0x59: {  	v4 =	vmul.f32 v4, v2;
	_ =	sdelay $0x1  }
0x5a: {  	v3 =	vadd.f32 v4, v3;
	_ =	sdelay $0x1  }
0x5b: {  	v3 =	vmul.f32 $5.000000000e-01, v3;
	_ =	sdelay $0x1  }
0x5c: {  	(erf) = vrcp.f32 v3;
	_ =	sdelay $0x8  }
0x5d: {  	v4 =	vpop (erf)  }
0x5e: {  	v4 =	vmul.f32 v4, v2;
	_ =	sdelay $0x1  }
0x5f: {  	v3 =	vadd.f32 v4, v3;
	_ =	sdelay $0x1  }
0x60: {  	v3 =	vmul.f32 $5.000000000e-01, v3;
	_ =	sdelay $0x1  }
0x61: {  	(erf) = vrcp.f32 v3;
	_ =	sdelay $0x1  }
0x62: {  	s9 =	sshra.s32 s6, $0x2  }
0x63: {  	v4 =	vld [tilespmem:s9+$0x180];
	_ =	sdelay $0x5  }
0x64: {  	v5 =	vpop (erf)  }
0x65: {  	s10 =	sand.u32 $0x600, s6;
	s6 =	smov.u32 s8;
	s9 =	sand.u32 $0x70, s5;
	v5 =	vmul.f32 v5, v2  }
0x66: {  	s8 =	sor.u32 s10, s5;
	s9 =	sor.u32 s9, s10;
	v6 =	vld.idx.msk [tilespmem:v4+s3+$0x0], $0xffff  }
0x67: {  	v3 =	vadd.f32 v5, v3;
	v5 =	vld [tilespmem:s9+$0x580];
	_ =	sdelay $0x1  }
0x68: {  	v3 =	vmul.f32 $5.000000000e-01, v3  }
0x69: {  	vm0 =	vgt.f32 v2, $0.0e+00  }
0x6a: {  	v2 =	vnsel vm0, $0x0, v3;
	v3 =	vld [tilespmem:$0x100]  }
0x6b: {  	v6 =	vmul.f32 v1, v6;
	v5 =	vmul.f32 v2, v5;
	_ =	sdelay $0x1  }
0x6c: {  	v5 =	vadd.f32 v5, v6;
	v6 =	vadd.s32 $0x40, v4;
	_ =	sdelay $0x1  }
0x6d: {  	v3 =	vmul.f32 v5, v3;
	_ =	sdelay $0x1  }
0x6e: {  	[tilespmem:s9+$0xD80] =	vst v3  }
0x6f: {  	v3 =	vld.idx.msk [tilespmem:v6+s3+$0x0], $0xffff  }
0x70: {  	v5 =	vld [tilespmem:s9+$0x600];
	_ =	sdelay $0x3  }
0x71: {  	v6 =	vld [tilespmem:$0x110]  }
0x72: {  	v3 =	vmul.f32 v3, v1;
	v5 =	vmul.f32 v2, v5;
	_ =	sdelay $0x1  }
0x73: {  	v3 =	vadd.f32 v5, v3;
	v5 =	vadd.s32 $0x80, v4;
	_ =	sdelay $0x1  }
0x74: {  	v3 =	vmul.f32 v3, v6;
	_ =	sdelay $0x1  }
0x75: {  	[tilespmem:s9+$0xE00] =	vst v3  }
0x76: {  	v3 =	vld.idx.msk [tilespmem:v5+s3+$0x0], $0xffff  }
0x77: {  	v5 =	vld [tilespmem:s9+$0x680];
	_ =	sdelay $0x3  }
0x78: {  	v6 =	vld [tilespmem:$0x120]  }
0x79: {  	v3 =	vmul.f32 v3, v1;
	v5 =	vmul.f32 v2, v5;
	_ =	sdelay $0x1  }
0x7a: {  	v4 =	vadd.s32 $0xC0, v4;
	v3 =	vadd.f32 v5, v3;
	_ =	sdelay $0x1  }
0x7b: {  	v3 =	vmul.f32 v3, v6;
	_ =	sdelay $0x1  }
0x7c: {  	[tilespmem:s9+$0xE80] =	vst v3  }
0x7d: {  	s8 =	sor.u32 $0x180, s8;
	v3 =	vld.idx.msk [tilespmem:v4+s3+$0x0], $0xffff  }
0x7e: {  	v4 =	vld [tilespmem:s8+$0x580]  }
0x7f: {  	v5 =	vld [tilespmem:$0x130];
	_ =	sdelay $0x3  }
0x80: {  	v1 =	vmul.f32 v3, v1;
	v2 =	vmul.f32 v2, v4  }
.Ltmp0:
0x81: {  	(pc) =	sbr.rel @p0 .LBB2_1-.Ltmp0, $3  }
0x82: {  	v1 =	vadd.f32 v2, v1;
	_ =	sdelay $0x1  }
0x83: {  	v1 =	vmul.f32 v1, v5  }
0x84: {  	s5 =	sadd.s32 $0x10, s5  }
0x85: {  	s7 =	sand.u32 $0x1F0, s5;
	[tilespmem:s8+$0xD80] =	vst v1  }
0x86: {  	v1 =	vld [tilespmem:s7+$0x380];
	_ =	sdelay $0x4  }
0x87: {  	v1 =	vcvt.s32.f32 v1;
	_ =	sdelay $0x1  }
0x88: {  	v1 =	vmul.f32 $-5.025167950e-03, v1;
	_ =	sdelay $0x1  }
0x89: {  	v1 =	vmul.f32 $1.442695020e+00, v1;
	_ =	sdelay $0x1  }
0x8a: {  	(erf) = vpow2.f32 v1;
	_ =	sdelay $0x8  }
0x8b: {  	v1 =	vpop (erf)  }
0x8c: {  	v2 =	vmul.f32 v1, v1;
	_ =	sdelay $0x1  }
0x8d: {  	v2 =	vsub.f32 $1.000000000e+00, v2;
	_ =	sdelay $0x1  }
0x8e: {  	vm0 =	vgt.f32 v2, $4.639999940e-02  }
0x8f: {  	vm1 =	vgt.f32 v2, $2.150000040e-01;
	v0 =	vsel vm0, $0x3EA1CAC1, v0  }
0x90: {  	v0 =	vsel vm1, $0x3F2E5604, v0  }
0x91: {  	(erf) = vrcp.f32 v0;
	_ =	sdelay $0x8  }
0x92: {  	v3 =	vpop (erf)  }
0x93: {  	v3 =	vmul.f32 v3, v2;
	_ =	sdelay $0x1  }
0x94: {  	v0 =	vadd.f32 v3, v0;
	_ =	sdelay $0x1  }
0x95: {  	v0 =	vmul.f32 $5.000000000e-01, v0;
	_ =	sdelay $0x1  }
0x96: {  	(erf) = vrcp.f32 v0;
	_ =	sdelay $0x8  }
0x97: {  	v52 =	vpop (erf)  }
0x98: {  	v3 =	vmul.f32 v52, v2;
	_ =	sdelay $0x1  }
0x99: {  	v0 =	vadd.f32 v3, v0;
	_ =	sdelay $0x1  }
0x9a: {  	v0 =	vmul.f32 $5.000000000e-01, v0;
	_ =	sdelay $0x1  }
0x9b: {  	(erf) = vrcp.f32 v0;
	_ =	sdelay $0x2  }
0x9c: {  	s23 =	sshra.s32 s6, $0x2  }
0x9d: {  	v53 =	vld [tilespmem:s23+$0x180];
	_ =	sdelay $0x4  }
0x9e: {  	s24 =	sand.u32 $0x70, s5;
	s25 =	sand.u32 $0x600, s6;
	v4 =	vpop (erf)  }
0x9f: {  	s7 =	sor.u32 s24, s25;
	v4 =	vmul.f32 v4, v2  }
0xa0: {  	v54 =	vld [tilespmem:s7+$0x580]  }
0xa1: {  	v5 =	vld.idx.msk [tilespmem:v53+s3+$0x0], $0xffff;
	v0 =	vadd.f32 v4, v0;
	_ =	sdelay $0x1  }
0xa2: {  	v0 =	vmul.f32 $5.000000000e-01, v0  }
0xa3: {  	vm15 =	vgt.f32 v2, $0.0e+00  }
0xa4: {  	v55 =	vld [tilespmem:$0x100];
	v0 =	vnsel vm15, $0x0, v0  }
0xa5: {  	v5 =	vmul.f32 v1, v5;
	v4 =	vmul.f32 v0, v54;
	_ =	sdelay $0x1  }
0xa6: {  	v56 =	vadd.s32 $0x40, v53;
	v4 =	vadd.f32 v4, v5;
	_ =	sdelay $0x1  }
0xa7: {  	v2 =	vmul.f32 v4, v55;
	_ =	sdelay $0x1  }
0xa8: {  	v57 =	vld [tilespmem:s7+$0x600];
	[tilespmem:s7+$0xD80] =	vst v2  }
0xa9: {  	v2 =	vld.idx.msk [tilespmem:v56+s3+$0x0], $0xffff;
	_ =	sdelay $0x3  }
0xaa: {  	v58 =	vld [tilespmem:$0x110]  }
0xab: {  	v4 =	vmul.f32 v0, v57;
	v2 =	vmul.f32 v2, v1;
	_ =	sdelay $0x1  }
0xac: {  	v59 =	vadd.s32 $0x80, v53;
	v2 =	vadd.f32 v4, v2;
	_ =	sdelay $0x1  }
0xad: {  	v2 =	vmul.f32 v2, v58;
	_ =	sdelay $0x1  }
0xae: {  	v60 =	vld [tilespmem:s7+$0x680];
	[tilespmem:s7+$0xE00] =	vst v2  }
0xaf: {  	v2 =	vld.idx.msk [tilespmem:v59+s3+$0x0], $0xffff;
	_ =	sdelay $0x3  }
0xb0: {  	v61 =	vld [tilespmem:$0x120]  }
0xb1: {  	v4 =	vmul.f32 v0, v60;
	v2 =	vmul.f32 v2, v1;
	_ =	sdelay $0x1  }
0xb2: {  	v3 =	vadd.s32 $0xC0, v53;
	v2 =	vadd.f32 v4, v2;
	_ =	sdelay $0x1  }
0xb3: {  	v2 =	vmul.f32 v2, v61;
	_ =	sdelay $0x1  }
0xb4: {  	s26 =	sor.u32 s25, s5;
	[tilespmem:s7+$0xE80] =	vst v2  }
0xb5: {  	s28 =	sor.u32 $0x180, s26;
	v2 =	vld.idx.msk [tilespmem:v3+s3+$0x0], $0xffff  }
0xb6: {  	v62 =	vld [tilespmem:s28+$0x580];
	_ =	sdelay $0x3  }
0xb7: {  	v63 =	vld [tilespmem:$0x130]  }
0xb8: {  	v1 =	vmul.f32 v2, v1;
	v0 =	vmul.f32 v0, v62;
	_ =	sdelay $0x1  }
0xb9: {  	v0 =	vadd.f32 v0, v1;
	_ =	sdelay $0x1  }
0xba: {  	v0 =	vmul.f32 v0, v63  }
0xbb: {  	s2 =	sadd.s32 s4, s2  }
0xbc: {  	s29 =	simm.s32 $0x0;
	s30 =	simm.s32 $0xD80;
	s31 =	simm.s32 $0x4;
	[tilespmem:s28+$0xD80] =	vst v0  }
0xbd: {  	[hbm4b:s2+s29] =	stream.linear.scatter [tilespmem:s30], [sflag:$0x4], $0x800, $0x38;
	[tilespmem:$0x1580] =	vst v63  }
0xbe: {  	_ =	swait.ge [sflag:s31], $0x800  }
0xbf: {  	[sflag:s31] =	ssyncset.done $0x0  }
0xc0: {  	[sflag:s31] =	ssyncadd.s32 $0xFFFFF800  }
0xc1: {  	_ =	sfence.sel $0x180000  }
0xc2: {  	[bflag:$0x0] =	sbarrier.arrive $0xFFFF  }
0xc3: {  	p0 =	sne.s32 s0, $0x0;
	_ =	strace $0x90000047  }
0xc4: {  	s0 =	sadd.s32 @!p0 $0x100000, s1;
	[bflag:$0x2] =	sbarrier.arrive $0xFFFF  }
0xc5: {  	[sflag:s0] =	ssyncadd.tile.s32 @!p0 $0x1;
	_ =	shalt  }
.Lfunc_end2:
_tile_overlayer_lowered:
.L_overlay_start_2:
0xc6: {  	(tag) =	ssettag $0x2  }
0xc7: {  	s0 =	rddreg [dreg:$0x0];
	s2 =	stileid.u32  }
0xc8: {  	s1 =	rddreg [dreg:$0x1];
	p0 =	sne.s32 s2, $0x0  }
0xc9: {  	s3 =	rddreg [dreg:$0x2];
	[bflag:$0x3] =	sbarrier.arrive $0xFFFF;
	s2 =	simm.s32 @!p0 $0x1C04  }
0xca: {  	[timem:s3], [sflag:s2] =	dma.local @!p0 [hbm:s0], s1  }
0xcb: {  	s0 =	simm.s32 @!p0 $0x4  }
0xcc: {  	_ =	swait.ge @!p0 [sflag:s0], s1  }
0xcd: {  	s1 =	ssub.s32 @!p0 $0x0, s1;
	[sflag:s0] =	ssyncset.done @!p0 $0x0  }
0xce: {  	[sflag:s0] =	ssyncadd.s32 @!p0 s1  }
0xcf: {  	[bflag:$0x3] =	sbarrier.arrive $0xFFFF  }
0xd0: {  	_ =	shalt  }

</sc_bundles>
